<compile_context>
chip_gen: v7x
topology: tpu7x:2x2x1
jax: 0.10.2.dev20260603
libtpu: 0.0.44.dev20260713+nightly
codegen_flags: <defaults>
</compile_context>

<pallas_src>
import functools

import jax
import jax.numpy as jnp
from jax import lax
from jax.experimental import pallas as pl
from jax.experimental.pallas import tpu as pltpu
from jax.experimental.pallas import tpu_sc as plsc

D_MODEL = 1024
BATCH = 16
LANES = 16
CHUNKS = D_MODEL // LANES


def _pool_body(hs_hbm, seq_hbm, out_hbm, seq_v, row_v):
    w = lax.axis_index("s")
    pltpu.sync_copy(seq_hbm, seq_v)
    seq = seq_v[...]
    lane = lax.iota(jnp.int32, 16)
    my_idx = jnp.sum(jnp.where(lane <= w, seq, 0)) - 1
    pltpu.sync_copy(hs_hbm.at[my_idx], row_v)

    def _ss_body(j, acc):
        base = j * (8 * LANES)
        for u in range(8):
            ch = row_v[pl.ds(base + u * LANES, LANES)]
            acc = acc + ch * ch
        return acc

    acc = lax.fori_loop(
        0, CHUNKS // 8, _ss_body, jnp.zeros((LANES,), jnp.float32)
    )
    tot = jnp.maximum(jnp.sum(acc), 1e-24)
    t = jnp.full((LANES,), tot, dtype=jnp.float32)
    bits = lax.bitcast_convert_type(t, jnp.int32)
    bits = 0x5F3759DF - lax.shift_right_arithmetic(bits, 1)
    y = lax.bitcast_convert_type(bits, jnp.float32)
    for _ in range(3):
        y = y * (1.5 - 0.5 * t * y * y)

    def _scale_body(j, carry):
        base = j * (8 * LANES)
        for u in range(8):
            sl = pl.ds(base + u * LANES, LANES)
            row_v[sl] = row_v[sl] * y
        return carry

    lax.fori_loop(0, CHUNKS // 8, _scale_body, 0)
    pltpu.sync_copy(row_v, out_hbm.at[w])


def kernel(hidden_states, extend_seq_lens):
    seq = extend_seq_lens.astype(jnp.int32)
    pooled = functools.partial(
        pl.kernel,
        mesh=plsc.VectorSubcoreMesh(
            core_axis_name="c", subcore_axis_name="s", num_cores=1
        ),
        out_type=jax.ShapeDtypeStruct((BATCH, D_MODEL), jnp.float32),
        scratch_types=[
            pltpu.VMEM((BATCH,), jnp.int32),
            pltpu.VMEM((D_MODEL,), jnp.float32),
        ],
        compiler_params=pltpu.CompilerParams(needs_layout_passes=False),
    )(_pool_body)(hidden_states, seq)
    return pooled

# --- scband reference (transcript-rebuilt; emitter-appended) ---
"""Pipeline reference for scband-pooler-52604759442048 (READ-ONLY COPY).

The authoritative reference and input builder live on the scoring server;
editing this copy changes nothing except your own understanding.
"""

import jax, jax.numpy as jnp
import numpy as np

TOTAL_TOKENS = 32768
D_MODEL = 1024
BATCH = 16


def setup_inputs(seed: int = 0) -> dict:
    key = jax.random.key(seed)
    k1, k2 = jax.random.split(key)
    hidden_states = jax.random.normal(k1, (TOTAL_TOKENS, D_MODEL), dtype=jnp.float32)
    # seq lens in [1, 2048) so cumsum-1 indices are valid and >= 0
    extend_seq_lens = jax.random.randint(k2, (BATCH,), 1, 2048, dtype=jnp.int64)
    return {"hidden_states": hidden_states, "extend_seq_lens": extend_seq_lens}


def reference(hidden_states, extend_seq_lens):
    # PoolingType.LAST: gather last token of each sequence from the flat token buffer
    last_token_indices = jnp.cumsum(extend_seq_lens, axis=0) - 1
    pooled_data = jnp.take(hidden_states, last_token_indices, axis=0)
    # normalize=True: L2 normalize like torch.nn.functional.normalize (eps=1e-12)
    norm = jnp.sqrt(jnp.sum(pooled_data * pooled_data, axis=-1, keepdims=True))
    norm = jnp.maximum(norm, 1e-12)
    pooled_data = pooled_data / norm
    return pooled_data

if __name__ == "__main__":
    import jax
    _d = setup_inputs()
    print(jax.jit(kernel)(*tuple(_d.values())))

</pallas_src>

<mosaic_0001>
#map = affine_map<(d0, d1) -> (0, 0)>
#map1 = affine_map<(d0, d1) -> (0)>
module attributes {stable_mosaic.version = 14 : i64} {
  func.func @_pool_body(%arg0: i32, %arg1: i32, %arg2: memref<32768x1024xf32, #tpu.memory_space<hbm>>, %arg3: memref<16xi32, #tpu.memory_space<hbm>>, %arg4: memref<16x1024xf32, #tpu.memory_space<hbm>>, %arg5: memref<16xi32, #tpu.memory_space<vmem>>, %arg6: memref<1024xf32, #tpu.memory_space<vmem>>) attributes {dimension_semantics = [#tpu.dimension_semantics<core_parallel>, #tpu.dimension_semantics<subcore_parallel>], iteration_bounds = array<i64: 1, 16>, scalar_prefetch = 0 : i64, scratch_operands = 2 : i64, tpu.core_type = #tpu.core_type<sc_vector_subcore>, window_params = [{transform_indices = #map}, {transform_indices = #map1}, {transform_indices = #map}]} {
    "tpu.region"() ({
      %run_scoped3A = tpu.sem_alloc : memref<!tpu.dma_semaphore, #tpu.memory_space<semaphore_mem>>
      tpu.enqueue_dma source(%arg3 : memref<16xi32, #tpu.memory_space<hbm>>) target(%arg5 : memref<16xi32, #tpu.memory_space<vmem>>) target_semaphore(%run_scoped3A : memref<!tpu.dma_semaphore, #tpu.memory_space<semaphore_mem>>)
      tpu.wait_dma2 semaphore(%run_scoped3A : memref<!tpu.dma_semaphore, #tpu.memory_space<semaphore_mem>>) src(%arg3 : memref<16xi32, #tpu.memory_space<hbm>>) dst(%arg5 : memref<16xi32, #tpu.memory_space<vmem>>)
      tpu.yield
    }) : () -> ()
    %get3A = arith.constant 0 : index
    %get3A_0 = tpu.vector_load %arg5[%get3A] {strides = array<i32>} : memref<16xi32, #tpu.memory_space<vmem>>, vector<16xi32>,
    %iota3A = tpu.iota {dimensions = array<i32: 0>} : vector<16xi32>
    %le3A = vector.broadcast %arg1 : i32 to vector<16xi32>
    %le3A_1 = arith.cmpi sle, %iota3A, %le3A : vector<16xi32>
    %jit3A = arith.constant 0 : i32
    %broadcast_in_dim3A = vector.broadcast %jit3A : i32 to vector<16xi32>
    %select_n3A = arith.select %le3A_1, %get3A_0, %broadcast_in_dim3A : vector<16xi1>, vector<16xi32>
    %reduce_sum3A = arith.constant true
    %reduce_sum3A_2 = vector.broadcast %reduce_sum3A : i1 to vector<16xi1>
    %reduce_sum3A_3 = tpu.scan <sum>, %select_n3A masked %reduce_sum3A_2 : vector<16xi32>, vector<16xi1> -> vector<16xi32>
    %reduce_sum3A_4 = vector.extract %reduce_sum3A_3[15] : i32 from vector<16xi32>
    %sub3A = arith.constant 1 : i32
    %sub3A_5 = arith.subi %reduce_sum3A_4, %sub3A : i32
    "tpu.region"() ({
      %run_scoped3A = tpu.sem_alloc : memref<!tpu.dma_semaphore, #tpu.memory_space<semaphore_mem>>
      %dma_start3A = arith.constant 0 : i32
      %dma_start3A_57 = tpu.memref_slice %arg2[%sub3A_5, %dma_start3A] : memref<32768x1024xf32, #tpu.memory_space<hbm>> -> memref<1x1024xf32, #tpu.memory_space<hbm>>
      %dma_start3A_58 = tpu.memref_squeeze %dma_start3A_57 : memref<1x1024xf32, #tpu.memory_space<hbm>> -> memref<1024xf32, #tpu.memory_space<hbm>>
      %dma_start3A_59 = arith.constant 0 : i32
      %dma_start3A_60 = tpu.memref_slice %arg2[%sub3A_5, %dma_start3A_59] : memref<32768x1024xf32, #tpu.memory_space<hbm>> -> memref<1x1024xf32, #tpu.memory_space<hbm>>
      %dma_start3A_61 = tpu.memref_squeeze %dma_start3A_60 : memref<1x1024xf32, #tpu.memory_space<hbm>> -> memref<1024xf32, #tpu.memory_space<hbm>>
      tpu.enqueue_dma source(%dma_start3A_61 : memref<1024xf32, #tpu.memory_space<hbm>>) target(%arg6 : memref<1024xf32, #tpu.memory_space<vmem>>) target_semaphore(%run_scoped3A : memref<!tpu.dma_semaphore, #tpu.memory_space<semaphore_mem>>)
      %dma_wait3A = arith.constant 0 : i32
      %dma_wait3A_62 = tpu.memref_slice %arg2[%sub3A_5, %dma_wait3A] : memref<32768x1024xf32, #tpu.memory_space<hbm>> -> memref<1x1024xf32, #tpu.memory_space<hbm>>
      %dma_wait3A_63 = tpu.memref_squeeze %dma_wait3A_62 : memref<1x1024xf32, #tpu.memory_space<hbm>> -> memref<1024xf32, #tpu.memory_space<hbm>>
      %dma_wait3A_64 = arith.constant 0 : i32
      %dma_wait3A_65 = tpu.memref_slice %arg2[%sub3A_5, %dma_wait3A_64] : memref<32768x1024xf32, #tpu.memory_space<hbm>> -> memref<1x1024xf32, #tpu.memory_space<hbm>>
      %dma_wait3A_66 = tpu.memref_squeeze %dma_wait3A_65 : memref<1x1024xf32, #tpu.memory_space<hbm>> -> memref<1024xf32, #tpu.memory_space<hbm>>
      tpu.wait_dma2 semaphore(%run_scoped3A : memref<!tpu.dma_semaphore, #tpu.memory_space<semaphore_mem>>) src(%dma_wait3A_66 : memref<1024xf32, #tpu.memory_space<hbm>>) dst(%arg6 : memref<1024xf32, #tpu.memory_space<vmem>>)
      tpu.yield
    }) : () -> ()
    %broadcast_in_dim3A_6 = arith.constant 0.000000e+00 : f32
    %broadcast_in_dim3A_7 = vector.broadcast %broadcast_in_dim3A_6 : f32 to vector<16xf32>
    %scan3A = arith.constant 0 : i32
    %scan3A_8 = arith.constant 8 : i32
    %scan3A_9 = arith.addi %scan3A, %scan3A_8 : i32
    %scan3A_10 = arith.constant 1 : i32
    %scan3A_11 = scf.for %scan3A_57 = %scan3A to %scan3A_9 step %scan3A_10 iter_args(%scan3A_58 = %broadcast_in_dim3A_7) -> (vector<16xf32>)  : i32 {
      %mul3A_59 = arith.constant 128 : i32
      %mul3A_60 = arith.muli %scan3A_57, %mul3A_59 : i32
      %add3A = arith.constant 0 : i32
      %add3A_61 = arith.addi %mul3A_60, %add3A : i32
      %get3A_62 = arith.index_cast %add3A_61 : i32 to index
      %get3A_63 = tpu.vector_load %arg6[%get3A_62] {strides = array<i32>} : memref<1024xf32, #tpu.memory_space<vmem>>, vector<16xf32>,
      %mul3A_64 = arith.mulf %get3A_63, %get3A_63 : vector<16xf32>
      %add3A_65 = arith.addf %scan3A_58, %mul3A_64 : vector<16xf32>
      %add3A_66 = arith.constant 16 : i32
      %add3A_67 = arith.addi %mul3A_60, %add3A_66 : i32
      %get3A_68 = arith.index_cast %add3A_67 : i32 to index
      %get3A_69 = tpu.vector_load %arg6[%get3A_68] {strides = array<i32>} : memref<1024xf32, #tpu.memory_space<vmem>>, vector<16xf32>,
      %mul3A_70 = arith.mulf %get3A_69, %get3A_69 : vector<16xf32>
      %add3A_71 = arith.addf %add3A_65, %mul3A_70 : vector<16xf32>
      %add3A_72 = arith.constant 32 : i32
      %add3A_73 = arith.addi %mul3A_60, %add3A_72 : i32
      %get3A_74 = arith.index_cast %add3A_73 : i32 to index
      %get3A_75 = tpu.vector_load %arg6[%get3A_74] {strides = array<i32>} : memref<1024xf32, #tpu.memory_space<vmem>>, vector<16xf32>,
      %mul3A_76 = arith.mulf %get3A_75, %get3A_75 : vector<16xf32>
      %add3A_77 = arith.addf %add3A_71, %mul3A_76 : vector<16xf32>
      %add3A_78 = arith.constant 48 : i32
      %add3A_79 = arith.addi %mul3A_60, %add3A_78 : i32
      %get3A_80 = arith.index_cast %add3A_79 : i32 to index
      %get3A_81 = tpu.vector_load %arg6[%get3A_80] {strides = array<i32>} : memref<1024xf32, #tpu.memory_space<vmem>>, vector<16xf32>,
      %mul3A_82 = arith.mulf %get3A_81, %get3A_81 : vector<16xf32>
      %add3A_83 = arith.addf %add3A_77, %mul3A_82 : vector<16xf32>
      %add3A_84 = arith.constant 64 : i32
      %add3A_85 = arith.addi %mul3A_60, %add3A_84 : i32
      %get3A_86 = arith.index_cast %add3A_85 : i32 to index
      %get3A_87 = tpu.vector_load %arg6[%get3A_86] {strides = array<i32>} : memref<1024xf32, #tpu.memory_space<vmem>>, vector<16xf32>,
      %mul3A_88 = arith.mulf %get3A_87, %get3A_87 : vector<16xf32>
      %add3A_89 = arith.addf %add3A_83, %mul3A_88 : vector<16xf32>
      %add3A_90 = arith.constant 80 : i32
      %add3A_91 = arith.addi %mul3A_60, %add3A_90 : i32
      %get3A_92 = arith.index_cast %add3A_91 : i32 to index
      %get3A_93 = tpu.vector_load %arg6[%get3A_92] {strides = array<i32>} : memref<1024xf32, #tpu.memory_space<vmem>>, vector<16xf32>,
      %mul3A_94 = arith.mulf %get3A_93, %get3A_93 : vector<16xf32>
      %add3A_95 = arith.addf %add3A_89, %mul3A_94 : vector<16xf32>
      %add3A_96 = arith.constant 96 : i32
      %add3A_97 = arith.addi %mul3A_60, %add3A_96 : i32
      %get3A_98 = arith.index_cast %add3A_97 : i32 to index
      %get3A_99 = tpu.vector_load %arg6[%get3A_98] {strides = array<i32>} : memref<1024xf32, #tpu.memory_space<vmem>>, vector<16xf32>,
      %mul3A_100 = arith.mulf %get3A_99, %get3A_99 : vector<16xf32>
      %add3A_101 = arith.addf %add3A_95, %mul3A_100 : vector<16xf32>
      %add3A_102 = arith.constant 112 : i32
      %add3A_103 = arith.addi %mul3A_60, %add3A_102 : i32
      %get3A_104 = arith.index_cast %add3A_103 : i32 to index
      %get3A_105 = tpu.vector_load %arg6[%get3A_104] {strides = array<i32>} : memref<1024xf32, #tpu.memory_space<vmem>>, vector<16xf32>,
      %mul3A_106 = arith.mulf %get3A_105, %get3A_105 : vector<16xf32>
      %add3A_107 = arith.addf %add3A_101, %mul3A_106 : vector<16xf32>
      scf.yield %add3A_107 : vector<16xf32>
    }
    %scan3A_12 = arith.constant 8 : i32
    %reduce_sum3A_13 = arith.constant true
    %reduce_sum3A_14 = vector.broadcast %reduce_sum3A_13 : i1 to vector<16xi1>
    %reduce_sum3A_15 = tpu.scan <sum>, %scan3A_11 masked %reduce_sum3A_14 : vector<16xf32>, vector<16xi1> -> vector<16xf32>
    %reduce_sum3A_16 = vector.extract %reduce_sum3A_15[15] : f32 from vector<16xf32>
    %max3A = arith.constant 1.000000e-24 : f32
    %max3A_17 = arith.maximumf %reduce_sum3A_16, %max3A : f32
    %broadcast_in_dim3A_18 = vector.broadcast %max3A_17 : f32 to vector<16xf32>
    %bitcast_convert_type3A = tpu.bitcast %broadcast_in_dim3A_18 : vector<16xf32> -> vector<16xi32>
    %shift_right_arithmetic3A = arith.constant 1 : i32
    %shift_right_arithmetic3A_19 = vector.broadcast %shift_right_arithmetic3A : i32 to vector<16xi32>
    %shift_right_arithmetic3A_20 = arith.shrsi %bitcast_convert_type3A, %shift_right_arithmetic3A_19 : vector<16xi32>
    %sub3A_21 = arith.constant 1597463007 : i32
    %sub3A_22 = vector.broadcast %sub3A_21 : i32 to vector<16xi32>
    %sub3A_23 = arith.subi %sub3A_22, %shift_right_arithmetic3A_20 : vector<16xi32>
    %bitcast_convert_type3A_24 = tpu.bitcast %sub3A_23 : vector<16xi32> -> vector<16xf32>
    %mul3A = arith.constant 5.000000e-01 : f32
    %mul3A_25 = vector.broadcast %mul3A : f32 to vector<16xf32>
    %mul3A_26 = arith.mulf %mul3A_25, %broadcast_in_dim3A_18 : vector<16xf32>
    %mul3A_27 = arith.mulf %mul3A_26, %bitcast_convert_type3A_24 : vector<16xf32>
    %mul3A_28 = arith.mulf %mul3A_27, %bitcast_convert_type3A_24 : vector<16xf32>
    %sub3A_29 = arith.constant 1.500000e+00 : f32
    %sub3A_30 = vector.broadcast %sub3A_29 : f32 to vector<16xf32>
    %sub3A_31 = arith.subf %sub3A_30, %mul3A_28 : vector<16xf32>
    %mul3A_32 = arith.mulf %bitcast_convert_type3A_24, %sub3A_31 : vector<16xf32>
    %mul3A_33 = arith.constant 5.000000e-01 : f32
    %mul3A_34 = vector.broadcast %mul3A_33 : f32 to vector<16xf32>
    %mul3A_35 = arith.mulf %mul3A_34, %broadcast_in_dim3A_18 : vector<16xf32>
    %mul3A_36 = arith.mulf %mul3A_35, %mul3A_32 : vector<16xf32>
    %mul3A_37 = arith.mulf %mul3A_36, %mul3A_32 : vector<16xf32>
    %sub3A_38 = arith.constant 1.500000e+00 : f32
    %sub3A_39 = vector.broadcast %sub3A_38 : f32 to vector<16xf32>
    %sub3A_40 = arith.subf %sub3A_39, %mul3A_37 : vector<16xf32>
    %mul3A_41 = arith.mulf %mul3A_32, %sub3A_40 : vector<16xf32>
    %mul3A_42 = arith.constant 5.000000e-01 : f32
    %mul3A_43 = vector.broadcast %mul3A_42 : f32 to vector<16xf32>
    %mul3A_44 = arith.mulf %mul3A_43, %broadcast_in_dim3A_18 : vector<16xf32>
    %mul3A_45 = arith.mulf %mul3A_44, %mul3A_41 : vector<16xf32>
    %mul3A_46 = arith.mulf %mul3A_45, %mul3A_41 : vector<16xf32>
    %sub3A_47 = arith.constant 1.500000e+00 : f32
    %sub3A_48 = vector.broadcast %sub3A_47 : f32 to vector<16xf32>
    %sub3A_49 = arith.subf %sub3A_48, %mul3A_46 : vector<16xf32>
    %mul3A_50 = arith.mulf %mul3A_41, %sub3A_49 : vector<16xf32>
    %scan3A_51 = arith.constant 0 : i32
    %scan3A_52 = arith.constant 0 : i32
    %scan3A_53 = arith.constant 8 : i32
    %scan3A_54 = arith.addi %scan3A_52, %scan3A_53 : i32
    %scan3A_55 = arith.constant 1 : i32
    scf.for %scan3A_57 = %scan3A_52 to %scan3A_54 step %scan3A_55  : i32 {
      %mul3A_58 = arith.constant 128 : i32
      %mul3A_59 = arith.muli %scan3A_57, %mul3A_58 : i32
      %add3A = arith.constant 0 : i32
      %add3A_60 = arith.addi %mul3A_59, %add3A : i32
      %get3A_61 = arith.index_cast %add3A_60 : i32 to index
      %get3A_62 = tpu.vector_load %arg6[%get3A_61] {strides = array<i32>} : memref<1024xf32, #tpu.memory_space<vmem>>, vector<16xf32>,
      %mul3A_63 = arith.mulf %get3A_62, %mul3A_50 : vector<16xf32>
      %swap3A = arith.index_cast %add3A_60 : i32 to index
      %swap3A_64 = tpu.vector_load %arg6[%swap3A] {strides = array<i32>} : memref<1024xf32, #tpu.memory_space<vmem>>, vector<16xf32>,
      tpu.vector_store %arg6[%swap3A], %mul3A_63 {strides = array<i32>} : memref<1024xf32, #tpu.memory_space<vmem>>, vector<16xf32>,
      %add3A_65 = arith.constant 16 : i32
      %add3A_66 = arith.addi %mul3A_59, %add3A_65 : i32
      %get3A_67 = arith.index_cast %add3A_66 : i32 to index
      %get3A_68 = tpu.vector_load %arg6[%get3A_67] {strides = array<i32>} : memref<1024xf32, #tpu.memory_space<vmem>>, vector<16xf32>,
      %mul3A_69 = arith.mulf %get3A_68, %mul3A_50 : vector<16xf32>
      %swap3A_70 = arith.index_cast %add3A_66 : i32 to index
      %swap3A_71 = tpu.vector_load %arg6[%swap3A_70] {strides = array<i32>} : memref<1024xf32, #tpu.memory_space<vmem>>, vector<16xf32>,
      tpu.vector_store %arg6[%swap3A_70], %mul3A_69 {strides = array<i32>} : memref<1024xf32, #tpu.memory_space<vmem>>, vector<16xf32>,
      %add3A_72 = arith.constant 32 : i32
      %add3A_73 = arith.addi %mul3A_59, %add3A_72 : i32
      %get3A_74 = arith.index_cast %add3A_73 : i32 to index
      %get3A_75 = tpu.vector_load %arg6[%get3A_74] {strides = array<i32>} : memref<1024xf32, #tpu.memory_space<vmem>>, vector<16xf32>,
      %mul3A_76 = arith.mulf %get3A_75, %mul3A_50 : vector<16xf32>
      %swap3A_77 = arith.index_cast %add3A_73 : i32 to index
      %swap3A_78 = tpu.vector_load %arg6[%swap3A_77] {strides = array<i32>} : memref<1024xf32, #tpu.memory_space<vmem>>, vector<16xf32>,
      tpu.vector_store %arg6[%swap3A_77], %mul3A_76 {strides = array<i32>} : memref<1024xf32, #tpu.memory_space<vmem>>, vector<16xf32>,
      %add3A_79 = arith.constant 48 : i32
      %add3A_80 = arith.addi %mul3A_59, %add3A_79 : i32
      %get3A_81 = arith.index_cast %add3A_80 : i32 to index
      %get3A_82 = tpu.vector_load %arg6[%get3A_81] {strides = array<i32>} : memref<1024xf32, #tpu.memory_space<vmem>>, vector<16xf32>,
      %mul3A_83 = arith.mulf %get3A_82, %mul3A_50 : vector<16xf32>
      %swap3A_84 = arith.index_cast %add3A_80 : i32 to index
      %swap3A_85 = tpu.vector_load %arg6[%swap3A_84] {strides = array<i32>} : memref<1024xf32, #tpu.memory_space<vmem>>, vector<16xf32>,
      tpu.vector_store %arg6[%swap3A_84], %mul3A_83 {strides = array<i32>} : memref<1024xf32, #tpu.memory_space<vmem>>, vector<16xf32>,
      %add3A_86 = arith.constant 64 : i32
      %add3A_87 = arith.addi %mul3A_59, %add3A_86 : i32
      %get3A_88 = arith.index_cast %add3A_87 : i32 to index
      %get3A_89 = tpu.vector_load %arg6[%get3A_88] {strides = array<i32>} : memref<1024xf32, #tpu.memory_space<vmem>>, vector<16xf32>,
      %mul3A_90 = arith.mulf %get3A_89, %mul3A_50 : vector<16xf32>
      %swap3A_91 = arith.index_cast %add3A_87 : i32 to index
      %swap3A_92 = tpu.vector_load %arg6[%swap3A_91] {strides = array<i32>} : memref<1024xf32, #tpu.memory_space<vmem>>, vector<16xf32>,
      tpu.vector_store %arg6[%swap3A_91], %mul3A_90 {strides = array<i32>} : memref<1024xf32, #tpu.memory_space<vmem>>, vector<16xf32>,
      %add3A_93 = arith.constant 80 : i32
      %add3A_94 = arith.addi %mul3A_59, %add3A_93 : i32
      %get3A_95 = arith.index_cast %add3A_94 : i32 to index
      %get3A_96 = tpu.vector_load %arg6[%get3A_95] {strides = array<i32>} : memref<1024xf32, #tpu.memory_space<vmem>>, vector<16xf32>,
      %mul3A_97 = arith.mulf %get3A_96, %mul3A_50 : vector<16xf32>
      %swap3A_98 = arith.index_cast %add3A_94 : i32 to index
      %swap3A_99 = tpu.vector_load %arg6[%swap3A_98] {strides = array<i32>} : memref<1024xf32, #tpu.memory_space<vmem>>, vector<16xf32>,
      tpu.vector_store %arg6[%swap3A_98], %mul3A_97 {strides = array<i32>} : memref<1024xf32, #tpu.memory_space<vmem>>, vector<16xf32>,
      %add3A_100 = arith.constant 96 : i32
      %add3A_101 = arith.addi %mul3A_59, %add3A_100 : i32
      %get3A_102 = arith.index_cast %add3A_101 : i32 to index
      %get3A_103 = tpu.vector_load %arg6[%get3A_102] {strides = array<i32>} : memref<1024xf32, #tpu.memory_space<vmem>>, vector<16xf32>,
      %mul3A_104 = arith.mulf %get3A_103, %mul3A_50 : vector<16xf32>
      %swap3A_105 = arith.index_cast %add3A_101 : i32 to index
      %swap3A_106 = tpu.vector_load %arg6[%swap3A_105] {strides = array<i32>} : memref<1024xf32, #tpu.memory_space<vmem>>, vector<16xf32>,
      tpu.vector_store %arg6[%swap3A_105], %mul3A_104 {strides = array<i32>} : memref<1024xf32, #tpu.memory_space<vmem>>, vector<16xf32>,
      %add3A_107 = arith.constant 112 : i32
      %add3A_108 = arith.addi %mul3A_59, %add3A_107 : i32
      %get3A_109 = arith.index_cast %add3A_108 : i32 to index
      %get3A_110 = tpu.vector_load %arg6[%get3A_109] {strides = array<i32>} : memref<1024xf32, #tpu.memory_space<vmem>>, vector<16xf32>,
      %mul3A_111 = arith.mulf %get3A_110, %mul3A_50 : vector<16xf32>
      %swap3A_112 = arith.index_cast %add3A_108 : i32 to index
      %swap3A_113 = tpu.vector_load %arg6[%swap3A_112] {strides = array<i32>} : memref<1024xf32, #tpu.memory_space<vmem>>, vector<16xf32>,
      tpu.vector_store %arg6[%swap3A_112], %mul3A_111 {strides = array<i32>} : memref<1024xf32, #tpu.memory_space<vmem>>, vector<16xf32>,
    }
    %scan3A_56 = arith.constant 8 : i32
    "tpu.region"() ({
      %run_scoped3A = tpu.sem_alloc : memref<!tpu.dma_semaphore, #tpu.memory_space<semaphore_mem>>
      %dma_start3A = arith.constant 0 : i32
      %dma_start3A_57 = tpu.memref_slice %arg4[%arg1, %dma_start3A] : memref<16x1024xf32, #tpu.memory_space<hbm>> -> memref<1x1024xf32, #tpu.memory_space<hbm>>
      %dma_start3A_58 = tpu.memref_squeeze %dma_start3A_57 : memref<1x1024xf32, #tpu.memory_space<hbm>> -> memref<1024xf32, #tpu.memory_space<hbm>>
      %dma_start3A_59 = arith.constant 0 : i32
      %dma_start3A_60 = tpu.memref_slice %arg4[%arg1, %dma_start3A_59] : memref<16x1024xf32, #tpu.memory_space<hbm>> -> memref<1x1024xf32, #tpu.memory_space<hbm>>
      %dma_start3A_61 = tpu.memref_squeeze %dma_start3A_60 : memref<1x1024xf32, #tpu.memory_space<hbm>> -> memref<1024xf32, #tpu.memory_space<hbm>>
      tpu.enqueue_dma source(%arg6 : memref<1024xf32, #tpu.memory_space<vmem>>) target(%dma_start3A_61 : memref<1024xf32, #tpu.memory_space<hbm>>) target_semaphore(%run_scoped3A : memref<!tpu.dma_semaphore, #tpu.memory_space<semaphore_mem>>)
      %dma_wait3A = arith.constant 0 : i32
      %dma_wait3A_62 = tpu.memref_slice %arg4[%arg1, %dma_wait3A] : memref<16x1024xf32, #tpu.memory_space<hbm>> -> memref<1x1024xf32, #tpu.memory_space<hbm>>
      %dma_wait3A_63 = tpu.memref_squeeze %dma_wait3A_62 : memref<1x1024xf32, #tpu.memory_space<hbm>> -> memref<1024xf32, #tpu.memory_space<hbm>>
      %dma_wait3A_64 = arith.constant 0 : i32
      %dma_wait3A_65 = tpu.memref_slice %arg4[%arg1, %dma_wait3A_64] : memref<16x1024xf32, #tpu.memory_space<hbm>> -> memref<1x1024xf32, #tpu.memory_space<hbm>>
      %dma_wait3A_66 = tpu.memref_squeeze %dma_wait3A_65 : memref<1x1024xf32, #tpu.memory_space<hbm>> -> memref<1024xf32, #tpu.memory_space<hbm>>
      tpu.wait_dma2 semaphore(%run_scoped3A : memref<!tpu.dma_semaphore, #tpu.memory_space<semaphore_mem>>) src(%arg6 : memref<1024xf32, #tpu.memory_space<vmem>>) dst(%dma_wait3A_66 : memref<1024xf32, #tpu.memory_space<hbm>>)
      tpu.yield
    }) : () -> ()
    return
  }
}

</mosaic_0001>

<sc_bundles>
// kernel: kernel.3.cloned.1.call-start
scs
__scs_entry_jumppad:
0x0: {  	(pc) =	sbr.rel $0x88, $3  }
0x1: {  	(tag) =	ssettag $0x0;
	lr =	simm.s32 $0x1  }
0x2: {  	[smem:$0x3F9F] =	sst lr;
	_ =	strace $0xD0000000  }
0x3: {  	_ = 	snop  }
0x4: {  	_ = 	snop  }
0x5: {  	_ = 	snop  }
0x6: {  	_ = 	snop  }
0x7: {  	_ = 	snop  }
__scs_overlays_trampoline_lowered:
0x8: {  	[smem:$0x3FAE] =	sst s0  }
0x9: {  	[smem:$0x3FAF] =	sst s1  }
0xa: {  	[smem:$0x3FB0] =	sst s2  }
0xb: {  	[smem:$0x3FB1] =	sst s3  }
0xc: {  	[smem:$0x3FB2] =	sst s4  }
0xd: {  	[smem:$0x3FB3] =	sst s5  }
0xe: {  	[smem:$0x3FB4] =	sst s6  }
0xf: {  	[smem:$0x3FB5] =	sst s7  }
0x10: {  	[smem:$0x3FB6] =	sst s8  }
0x11: {  	[smem:$0x3FB7] =	sst s9;
	s0 =	simm.s32 @!p0 $0x0  }
0x12: {  	s1 =	sld [smem:$0x3F9D];
	s0 =	simm.s32 @p0 $0x1  }
0x13: {  	[smem:$0x3FB8] =	sst s0;
	s0 =	simm.s32 @!p1 $0x0  }
0x14: {  	s2 =	sld [smem:$0x3F9C];
	s0 =	simm.s32 @p1 $0x1  }
0x15: {  	[smem:$0x3FB9] =	sst s0;
	s0 =	simm.s32 @!p2 $0x0  }
0x16: {  	s3 =	sld [smem:$0x3FDB];
	s0 =	simm.s32 @p2 $0x1  }
0x17: {  	s4 =	simm.s32 $0x1BF5;
	[smem:$0x3FBB] =	sst s0  }
0x18: {  	s0 =	sld [smem:$0x3F9E];
	_ =	swait.ge [sflag:s4], $0x0  }
0x19: {  	s7 =	sld [smem:$0x3F9F]  }
0x1a: {  	s8 =	sadd.s32 $0xFFFFE003, lr  }
0x1b: {  	s9 =	sadd.s32 $0xFFFFFEF7, lr;
	s5 =	simm.s32 $0xFFFFFFFF;
	p2 =	slt.u32 s8, $0xFFFFF086  }
0x1c: {  	p1 =	slt.u32 s9, $0xF7A;
	s5 =	simm.s32 @!p2 $0x0  }
0x1d: {  	s5 =	simm.s32 @p1 $0x1;
	p0 =	seq.s32 s7, s2  }
0x1e: {  	s7 =	smul.u32 @!p0 $0xF7A, s2;
	p2 =	seq.s32 @!p0 s5, $0x0  }
0x1f: {  	s9 =	smul.u32 $0xF7A, s1;
	s8 =	simm.s32 @!p0 $0x1BF5;
	p2 =	por !p2, p0  }
0x20: {  	[sflag:s8] =	ssyncset.s32 @!p0 $0xFFFFF086;
	s6 =	sadd.s32 @!p0 s3, s7;
	s7 =	simm.s32 @!p0 $0x108  }
0x21: {  	s3 =	sadd.s32 s3, s9;
	s6 =	sadd.s32 @!p0 $0x88, s6;
	s7 =	simm.s32 @p2 $0x1082  }
0x22: {  	[simem:s7], [sflag:s8] =	dma.local @!p0 [hbm:s6], $0xF7A  }
0x23: {  	s9 =	sor.u32 $0xD0000000, s2;
	s6 =	simm.s32 $0x108;
	_ =	swait.ge @!p0 [sflag:s8], $0x0  }
0x24: {  	s3 =	sadd.s32 $0x88, s3;
	s6 =	simm.s32 @!p1 $0x1082;
	[sflag:s4] =	ssyncset.s32 $0xFFFFF086  }
0x25: {  	[simem:s6], [sflag:s4] =	dma.local [hbm:s3], $0xF7A  }
0x26: {  	[smem:$0x3F9F] =	sst s1;
	(tag) =	ssettag s2;
	_ =	strace s9  }
0x27: {  	s1 =	sld [smem:$0x3FAF]  }
0x28: {  	s2 =	sld [smem:$0x3FB0]  }
0x29: {  	s4 =	sld [smem:$0x3FB2]  }
0x2a: {  	p0 =	seq.s32 s5, $0x0;
	s5 =	sld [smem:$0x3FB3]  }
0x2b: {  	s6 =	sld [smem:$0x3FB4]  }
0x2c: {  	s7 =	sld [smem:$0x3FB5]  }
0x2d: {  	s3 =	simm.s32 $0x108;
	s8 =	sld [smem:$0x3FB6]  }
0x2e: {  	s3 =	simm.s32 @!p0 $0x1082;
	s9 =	sld [smem:$0x3FB7]  }
0x2f: {  	lr =	sadd.s32 s0, s3;
	s0 =	sld [smem:$0x3FAE]  }
0x30: {  	s3 =	sld [smem:$0x3FB1]  }
0x31: {  	[smem:$0x3FBA] =	sst s10  }
0x32: {  	s10 =	sld [smem:$0x3FB8];
	_ =	sdelay $0x3  }
0x33: {  	p0 =	seq.s32 s10, $0x1;
	s10 =	sld [smem:$0x3FBA];
	_ =	sdelay $0x3  }
0x34: {  	[smem:$0x3FBA] =	sst s10  }
0x35: {  	s10 =	sld [smem:$0x3FB9];
	_ =	sdelay $0x3  }
0x36: {  	p1 =	seq.s32 s10, $0x1;
	s10 =	sld [smem:$0x3FBA];
	_ =	sdelay $0x3  }
0x37: {  	[smem:$0x3FBA] =	sst s10  }
0x38: {  	s10 =	sld [smem:$0x3FBB]  }
0x39: {  	_ = 	snop;
	(pc) =	sbr.ind lr, $3  }
0x3a: {  	_ = 	snop  }
0x3b: {  	_ = 	snop  }
0x3c: {  	p2 =	seq.s32 s10, $0x1;
	s10 =	sld [smem:$0x3FBA]  }
0x3d: {  	_ =	shalt  }
0x3e: {  	_ =	shalt  }
0x3f: {  	_ =	shalt  }
0x40: {  	_ =	shalt  }
0x41: {  	_ =	shalt  }
0x42: {  	_ =	shalt  }
0x43: {  	_ =	shalt  }
0x44: {  	_ =	shalt  }
0x45: {  	_ =	shalt  }
0x46: {  	_ =	shalt  }
0x47: {  	_ =	shalt  }
0x48: {  	_ =	shalt  }
0x49: {  	_ =	shalt  }
0x4a: {  	_ =	shalt  }
0x4b: {  	_ =	shalt  }
0x4c: {  	_ =	shalt  }
0x4d: {  	_ =	shalt  }
0x4e: {  	_ =	shalt  }
0x4f: {  	_ =	shalt  }
0x50: {  	_ =	shalt  }
0x51: {  	_ =	shalt  }
0x52: {  	_ =	shalt  }
0x53: {  	_ =	shalt  }
0x54: {  	_ =	shalt  }
0x55: {  	_ =	shalt  }
0x56: {  	_ =	shalt  }
0x57: {  	_ =	shalt  }
0x58: {  	_ =	shalt  }
0x59: {  	_ =	shalt  }
0x5a: {  	_ =	shalt  }
0x5b: {  	_ =	shalt  }
0x5c: {  	_ =	shalt  }
0x5d: {  	_ =	shalt  }
0x5e: {  	_ =	shalt  }
0x5f: {  	_ =	shalt  }
0x60: {  	_ =	shalt  }
0x61: {  	_ =	shalt  }
0x62: {  	_ =	shalt  }
0x63: {  	_ =	shalt  }
0x64: {  	_ =	shalt  }
0x65: {  	_ =	shalt  }
0x66: {  	_ =	shalt  }
0x67: {  	_ =	shalt  }
0x68: {  	_ =	shalt  }
0x69: {  	_ =	shalt  }
0x6a: {  	_ =	shalt  }
0x6b: {  	_ =	shalt  }
0x6c: {  	_ =	shalt  }
0x6d: {  	_ =	shalt  }
0x6e: {  	_ =	shalt  }
0x6f: {  	_ =	shalt  }
0x70: {  	_ =	shalt  }
0x71: {  	_ =	shalt  }
0x72: {  	_ =	shalt  }
0x73: {  	_ =	shalt  }
0x74: {  	_ =	shalt  }
0x75: {  	_ =	shalt  }
0x76: {  	_ =	shalt  }
0x77: {  	_ =	shalt  }
0x78: {  	_ =	shalt  }
0x79: {  	_ =	shalt  }
0x7a: {  	_ =	shalt  }
0x7b: {  	_ =	shalt  }
0x7c: {  	_ =	shalt  }
0x7d: {  	_ =	shalt  }
0x7e: {  	_ =	shalt  }
0x7f: {  	_ =	shalt  }
0x80: {  	_ =	shalt  }
0x81: {  	_ =	shalt  }
0x82: {  	_ =	shalt  }
0x83: {  	_ =	shalt  }
0x84: {  	_ =	shalt  }
0x85: {  	_ =	shalt  }
0x86: {  	_ =	shalt  }
0x87: {  	_ =	shalt  }
.Lfunc_end0:
.L_simem_size_0:
called_computation_lowered:
.L_overlay_start_0:
0x88: {  	s0 =	sld [smem:$0x3FD9]  }
0x89: {  	s1 =	sld [smem:$0x3FFE];
	_ =	sdelay $0x3  }
0x8a: {  	s0 =	sadd.s32 s1, s0  }
0x8b: {  	[smem:$0x3FC6] =	sst s0  }
0x8c: {  	_ = 	snop  }
0x8d: {  	s0 =	sld [smem:$0x3FC9]  }
0x8e: {  	s17 =	sld [smem:$0x3FC8]  }
0x8f: {  	s2 =	sld [smem:$0x3FD0];
	(tm) =	ssettm $0x1  }
0x90: {  	s3 =	sld [smem:$0x3FFB];
	_ =	sdelay $0x3  }
0x91: {  	_ =	strace s3  }
0x92: {  	s3 =	sld [smem:$0x3FFC];
	_ =	sdelay $0x3  }
0x93: {  	_ =	strace s3  }
0x94: {  	s3 =	sld [smem:$0x3FFD];
	_ =	sdelay $0x3  }
0x95: {  	_ =	strace s3  }
0x96: {  	_ =	strace $0x8FFFFFFF  }
0x97: {  	s18 =	sld [smem:$0x3FDB];
	_ =	sdelay $0x1  }
0x98: {  	s4 =	simm.s32 $_scs_section_size  }
0x99: {  	s5 =	simm.s32 $_size__tile_overlayer_lowered;
	s6 =	simm.s32 $_tile_overlayer_lowered  }
0x9a: {  	s21 =	simm.s32 $0x1BFF;
	s20 =	sshll.u32 s6, $0x1;
	s3 =	sadd.s32 s4, s18  }
0x9b: {  	s7 =	simm.s32 $0x0;
	s19 =	sshll.u32 s5, $0x1;
	s5 =	sadd.s32 s20, s3  }
0x9c: {  	[timem:s7], [sflag:s21] =	dma.local [hbm:s5], s19  }
0x9d: {  	_ =	swait.ge [sflag:s21], s19  }
0x9e: {  	s4 =	ssub.s32 $0x0, s19;
	[sflag:s21] =	ssyncset.done $0x0  }
0x9f: {  	[sflag:s21] =	ssyncadd.s32 s4;
	_ =	sdelay $0x1  }
0xa0: {  	s22 =	simm.s32 $0x1B8B  }
0xa1: {  	_ =	swait.ge [sflag:s22], $0x1  }
0xa2: {  	[sflag:s22] =	ssyncset.done $0x0  }
0xa3: {  	s23 =	simm.s32 $0x1B8E;
	[sflag:s22] =	ssyncadd.s32 $0xFFFFFFFF  }
0xa4: {  	s24 =	simm.s32 $execute0_lowered;
	[smem:$0x3FD2] =	sst s23  }
0xa5: {  	s4 =	sshll.u32 s24, $0x1;
	_ =	strace $0x80000046;
	[dreg:$0x1] =	wrdreg $0xFFFFFFFF  }
0xa6: {  	s25 =	simm.s32 $_size_execute0_lowered;
	s3 =	sadd.s32 s3, s4;
	[dreg:$0x0] =	wrdreg $0x0  }
0xa7: {  	s4 =	sshll.u32 s25, $0x1;
	[dreg:$0x2] =	wrdreg s3  }
0xa8: {  	[dreg:$0x3] =	wrdreg s4  }
0xa9: {  	[dreg:$0x4] =	wrdreg $0xC0  }
0xaa: {  	_ =	task [dreg:s7], $0x5FFFF  }
0xab: {  	[dreg:$0x1] =	wrdreg $0xFFFFFFFF  }
0xac: {  	[dreg:$0x0] =	wrdreg $0x60  }
0xad: {  	[dreg:$0x2] =	wrdreg s0  }
0xae: {  	[dreg:$0x3] =	wrdreg s17  }
0xaf: {  	[dreg:$0x4] =	wrdreg s2  }
0xb0: {  	[dreg:$0x5] =	wrdreg $0x9  }
0xb1: {  	_ =	task.clear_ibuf [dreg:s7], $0x6FFFF;
	_ =	strace $0x90000046  }
0xb2: {  	s26 =	simm.s32 $0x9;
	_ =	strace $0x80000048  }
0xb3: {  	_ =	swait.ge [sflag:s26], $0x1  }
0xb4: {  	[sflag:s26] =	ssyncadd.s32 $0xFFFFFFFF  }
0xb5: {  	_ =	strace $0x90000048  }
0xb6: {  	_ =	sfence  }
0xb7: {  	s28 =	sld [smem:$0x0];
	_ =	sdelay $0x1  }
0xb8: {  	s29 =	srdreg.scid  }
0xb9: {  	s30 =	sshll.u32 s29, $0xD;
	s31 =	sshrl.u32 s29, $0x2  }
0xba: {  	s1 =	sand.u32 $0x1, s29;
	s2 =	sand.u32 $0x4000, s30;
	s0 =	sadd.s32 s31, s28  }
0xbb: {  	s1 =	sor.u32 s2, s1;
	s0 =	sshll.u32 s0, $0x11  }
0xbc: {  	s0 =	sor.u32 s0, s1  }
0xbd: {  	s0 =	sadd.s32 $0x8F2B, s0  }
0xbe: {  	[sflag:s0] =	ssyncadd.remote.s32 $0x1  }
0xbf: {  	_ =	sfence.sel $0xFFFF  }
0xc0: {  	[dreg:$0x0] =	wrdreg $0xFFFFFFFF;
	(pc) =	sbr.abs _section_cstart, $3  }
0xc1: {  	[dreg:$0x1] =	wrdreg $0xFFFFFFFF  }
0xc2: {  	_ =	task.clear_ibuf [dreg:s7], $0x2FFFF;
	_ =	strace $0x9FFFFFFF  }
0xc3: {  	(tm) =	ssettm $0x7FFFFFFF  }
tec
execute0_lowered:
.L_overlay_start_1:
0x0: {  	(tag) =	ssettag $0x1  }
0x1: {  	s3 =	rddreg [dreg:$0x0]  }
0x2: {  	s1 =	rddreg [dreg:$0x1]  }
0x3: {  	s2 =	rddreg [dreg:$0x2];
	s4 =	simm.s32 $0x0  }
0x4: {  	[smem:$0x7FF] =	sst s4  }
0x5: {  	s0 =	rddreg [dreg:$0x3];
	s28 =	simm.s32 $0x1;
	_ =	strace $0x80000047  }
0x6: {  	[tilespmem:s4], [sflag:$0x1] =	stream.linear.gather [hbm4b:s1+s4], $0x80, $0x38;
	[tilespmem:$0x480] =	vst v63  }
0x7: {  	_ =	swait.ge [sflag:s28], $0x80  }
0x8: {  	[sflag:s28] =	ssyncset.done $0x0  }
0x9: {  	[sflag:s28] =	ssyncadd.s32 $0xFFFFFF80  }
0xa: {  	v0 =	vld [tilespmem:$0x0];
	_ =	sdelay $0x1  }
0xb: {  	v1 =	vlaneseq.u32;
	s1 =	stileid.u32  }
0xc: {  	v1 =	vadd.s32 $0xFFFFFFFF, v1;
	v2 =	vmov s1  }
0xd: {  	vm0 =	vgt.s32 v2, v1  }
0xe: {  	v0 =	vnsel vm0, $0x0, v0  }
0xf: {  	(xrf0) =	vadd.scan.msk.s32 $0xffff, v0;
	_ =	sdelay $0x5  }
0x10: {  	v0, _, _ =	vpop (xrf0)  }
0x11: {  	(v2sf) =	vpush v0, $0xF;
	_ =	sdelay $0xe  }
0x12: {  	s5 =	spop (v2sf)  }
0x13: {  	s5 =	sadd.s32 $0xFFFFFFFF, s5  }
0x14: {  	s6 =	sshll.u32 s5, $0xA;
	s5 =	sshll.u32 s5, $0x7  }
0x15: {  	s6 =	sand.u32 $0xFFFFE000, s6;
	s5 =	sand.u32 $0x380, s5  }
0x16: {  	s5 =	sor.u32 s5, s6  }
0x17: {  	s5 =	sshrl.u32 s5, $0x3  }
0x18: {  	s29 =	simm.s32 $0x400;
	s30 =	simm.s32 $0x80;
	s3 =	sadd.s32 s3, s5  }
0x19: {  	[tilespmem:s30], [sflag:$0x1] =	stream.strided.gather [hbm4b:s3+s30], $0x400, s29, s30, $0x38;
	[tilespmem:$0x480] =	vst v63  }
0x1a: {  	_ =	swait.ge [sflag:s28], $0x400  }
0x1b: {  	[sflag:s28] =	ssyncset.done $0x0  }
0x1c: {  	s31 =	simm.s32 $0x0;
	[sflag:s28] =	ssyncadd.s32 $0xFFFFFC00  }
0x1d: {  	v0 =	vld [tilespmem:s31+$0x80];
	_ =	sdelay $0x1  }
0x1e: {  	v1 =	vld [tilespmem:s31+$0x90];
	_ =	sdelay $0x1  }
0x1f: {  	v2 =	vld [tilespmem:s31+$0xA0]  }
0x20: {  	v0 =	vmul.f32 v0, v0  }
0x21: {  	v3 =	vimm.f32 $0.0e+00;
	v4 =	vld [tilespmem:s31+$0xB0]  }
0x22: {  	v1 =	vmul.f32 v1, v1;
	v0 =	vadd.f32 v0, v3;
	_ =	sdelay $0x1  }
0x23: {  	v3 =	vld [tilespmem:s31+$0xC0];
	v0 =	vadd.f32 v1, v0;
	v1 =	vmul.f32 v2, v2;
	_ =	sdelay $0x1  }
0x24: {  	v5 =	vld [tilespmem:s31+$0xD0];
	v0 =	vadd.f32 v1, v0;
	v1 =	vmul.f32 v4, v4;
	_ =	sdelay $0x1  }
0x25: {  	v2 =	vadd.f32 v1, v0;
	v1 =	vld [tilespmem:s31+$0xE0]  }
0x26: {  	v3 =	vmul.f32 v3, v3  }
0x27: {  	v0 =	vld [tilespmem:s31+$0xF0]  }
0x28: {  	s4 =	simm.s32 $0x400;
	s3 =	simm.s32 $0x80;
	v2 =	vadd.f32 v3, v2;
	v3 =	vmul.f32 v5, v5  }
.LBB2_1:
0x29: {  	p0 =	sne.s32 s4, $0xE00;
	v4 =	vld [tilespmem:s3+$0x80]  }
0x2a: {  	v2 =	vadd.f32 v3, v2;
	v1 =	vmul.f32 v1, v1  }
0x2b: {  	v3 =	vld [tilespmem:s3+$0x90]  }
0x2c: {  	v1 =	vadd.f32 v1, v2;
	v0 =	vmul.f32 v0, v0  }
0x2d: {  	v2 =	vld [tilespmem:s3+$0xA0]  }
0x2e: {  	v4 =	vmul.f32 v4, v4;
	v0 =	vadd.f32 v0, v1  }
0x2f: {  	v1 =	vld [tilespmem:s3+$0xB0]  }
0x30: {  	v0 =	vadd.f32 v4, v0;
	v3 =	vmul.f32 v3, v3  }
0x31: {  	v4 =	vld [tilespmem:s3+$0xC0]  }
0x32: {  	v0 =	vadd.f32 v3, v0;
	v2 =	vmul.f32 v2, v2  }
0x33: {  	v3 =	vld [tilespmem:s3+$0xD0]  }
.Ltmp0:
0x34: {  	v0 =	vadd.f32 v2, v0;
	v2 =	vmul.f32 v1, v1;
	(pc) =	sbr.rel @p0 .LBB2_1-.Ltmp0, $4  }
0x35: {  	v1 =	vld [tilespmem:s3+$0xE0]  }
0x36: {  	v2 =	vadd.f32 v2, v0;
	v4 =	vmul.f32 v4, v4  }
0x37: {  	v0 =	vld [tilespmem:s3+$0xF0]  }
0x38: {  	s3 =	sshra.s32 s4, $0x2;
	s4 =	sadd.s32 $0x200, s4;
	v2 =	vadd.f32 v4, v2;
	v3 =	vmul.f32 v3, v3  }
0x39: {  	v4 =	vld [tilespmem:s3+$0x80]  }
0x3a: {  	v2 =	vadd.f32 v3, v2;
	v1 =	vmul.f32 v1, v1  }
0x3b: {  	v3 =	vld [tilespmem:s3+$0x90]  }
0x3c: {  	v1 =	vadd.f32 v1, v2;
	v0 =	vmul.f32 v0, v0  }
0x3d: {  	v2 =	vld [tilespmem:s3+$0xA0]  }
0x3e: {  	v4 =	vmul.f32 v4, v4;
	v0 =	vadd.f32 v0, v1  }
0x3f: {  	v1 =	vld [tilespmem:s3+$0xB0]  }
0x40: {  	v3 =	vmul.f32 v3, v3;
	v0 =	vadd.f32 v4, v0  }
0x41: {  	v4 =	vld [tilespmem:s3+$0xC0]  }
0x42: {  	v2 =	vmul.f32 v2, v2;
	v0 =	vadd.f32 v3, v0  }
0x43: {  	v3 =	vld [tilespmem:s3+$0xD0]  }
0x44: {  	v1 =	vmul.f32 v1, v1;
	v0 =	vadd.f32 v2, v0  }
0x45: {  	v2 =	vld [tilespmem:s3+$0xE0]  }
0x46: {  	v0 =	vadd.f32 v1, v0;
	v1 =	vmul.f32 v4, v4  }
0x47: {  	v4 =	vld [tilespmem:s3+$0xF0]  }
0x48: {  	v0 =	vadd.f32 v1, v0;
	v1 =	vmul.f32 v3, v3;
	_ =	sdelay $0x1  }
0x49: {  	v0 =	vadd.f32 v1, v0;
	v1 =	vmul.f32 v2, v2;
	_ =	sdelay $0x1  }
0x4a: {  	v0 =	vadd.f32 v1, v0;
	v1 =	vmul.f32 v4, v4;
	_ =	sdelay $0x1  }
0x4b: {  	v0 =	vadd.f32 v1, v0;
	_ =	sdelay $0x1  }
0x4c: {  	(xrf2) =	vadd.scan.msk.f32 $0xffff, v0;
	_ =	sdelay $0x9  }
0x4d: {  	v0, _, _ =	vpop (xrf2)  }
0x4e: {  	(v2sf) =	vpush v0, $0xF;
	_ =	sdelay $0xe  }
0x4f: {  	s31 =	spop (v2sf)  }
0x50: {  	s3 =	smax.f32 s31, $1.000000020e-24  }
0x51: {  	v0 =	vmov s3  }
0x52: {  	v1 =	vshra.s32 v0, $0x1;
	v0 =	vmul.f32 $5.000000000e-01, v0  }
0x53: {  	v1 =	vsub.s32 $0x5F3759DF, v1  }
0x54: {  	v2 =	vmul.f32 v1, v0;
	_ =	sdelay $0x1  }
0x55: {  	v2 =	vmul.f32 v1, v2;
	_ =	sdelay $0x1  }
0x56: {  	v2 =	vsub.f32 $1.500000000e+00, v2;
	_ =	sdelay $0x1  }
0x57: {  	v1 =	vmul.f32 v1, v2;
	_ =	sdelay $0x1  }
0x58: {  	v2 =	vmul.f32 v1, v0;
	_ =	sdelay $0x1  }
0x59: {  	v2 =	vmul.f32 v2, v1;
	_ =	sdelay $0x1  }
0x5a: {  	v2 =	vsub.f32 $1.500000000e+00, v2;
	_ =	sdelay $0x1  }
0x5b: {  	v2 =	vmul.f32 v2, v1;
	_ =	sdelay $0x1  }
0x5c: {  	v0 =	vmul.f32 v2, v0;
	_ =	sdelay $0x1  }
0x5d: {  	s3 =	simm.s32 $0x0;
	v0 =	vmul.f32 v0, v2  }
0x5e: {  	v4 =	vld [tilespmem:s3+$0x80]  }
0x5f: {  	v6 =	vld [tilespmem:s3+$0x90];
	v0 =	vsub.f32 $1.500000000e+00, v0  }
0x60: {  	v5 =	vld [tilespmem:s3+$0xA0]  }
0x61: {  	v1 =	vld [tilespmem:s3+$0xB0];
	v0 =	vmul.f32 v0, v2  }
0x62: {  	v2 =	vld [tilespmem:s3+$0xC0]  }
0x63: {  	v3 =	vld [tilespmem:s3+$0xD0];
	v7 =	vmul.f32 v4, v0  }
0x64: {  	s4 =	simm.s32 $0x200;
	v6 =	vmul.f32 v6, v0;
	v4 =	vld [tilespmem:s3+$0xE0]  }
.LBB2_3:
0x65: {  	s5 =	sshra.s32 s4, $0x2;
	p0 =	sne.s32 s4, $0xE00;
	[tilespmem:s3+$0x80] =	vst v7;
	v5 =	vmul.f32 v5, v0;
	v7 =	vld [tilespmem:s3+$0xF0]  }
0x66: {  	v8 =	vld [tilespmem:s5+$0x80];
	[tilespmem:s3+$0x90] =	vst v6;
	v1 =	vmul.f32 v1, v0  }
0x67: {  	v6 =	vld [tilespmem:s5+$0x90];
	[tilespmem:s3+$0xA0] =	vst v5;
	v2 =	vmul.f32 v2, v0  }
.Ltmp1:
0x68: {  	v5 =	vld [tilespmem:s5+$0xA0];
	[tilespmem:s3+$0xB0] =	vst v1;
	v3 =	vmul.f32 v3, v0;
	(pc) =	sbr.rel @p0 .LBB2_3-.Ltmp1, $4  }
0x69: {  	v1 =	vld [tilespmem:s5+$0xB0];
	[tilespmem:s3+$0xC0] =	vst v2;
	v4 =	vmul.f32 v4, v0  }
0x6a: {  	v2 =	vld [tilespmem:s5+$0xC0];
	[tilespmem:s3+$0xD0] =	vst v3;
	v9 =	vmul.f32 v7, v0  }
0x6b: {  	v7 =	vmul.f32 v8, v0;
	v3 =	vld [tilespmem:s5+$0xD0];
	[tilespmem:s3+$0xE0] =	vst v4  }
0x6c: {  	s4 =	sadd.s32 $0x200, s4;
	v6 =	vmul.f32 v6, v0;
	v4 =	vld [tilespmem:s5+$0xE0];
	[tilespmem:s3+$0xF0] =	vst v9;
	s3 =	smov.u32 s5  }
0x6d: {  	[tilespmem:s3+$0x80] =	vst v7;
	v5 =	vmul.f32 v5, v0;
	v60 =	vld [tilespmem:s3+$0xF0]  }
0x6e: {  	[tilespmem:s3+$0x90] =	vst v6;
	v1 =	vmul.f32 v1, v0  }
0x6f: {  	[tilespmem:s3+$0xA0] =	vst v5;
	v2 =	vmul.f32 v2, v0  }
0x70: {  	[tilespmem:s3+$0xB0] =	vst v1;
	v61 =	vmul.f32 v3, v0  }
0x71: {  	s4 =	sshll.u32 s1, $0x4;
	[tilespmem:s3+$0xC0] =	vst v2;
	v62 =	vmul.f32 v4, v0  }
0x72: {  	s5 =	sshll.u32 s1, $0x7;
	s4 =	sand.u32 $0x70, s4;
	[tilespmem:s3+$0xD0] =	vst v61;
	v63 =	vmul.f32 v60, v0  }
0x73: {  	s29 =	simm.s32 $0x400;
	s28 =	sand.u32 $0x400, s5;
	s2 =	sadd.s32 s2, s4;
	[tilespmem:s3+$0xE0] =	vst v62  }
0x74: {  	s30 =	simm.s32 $0x80;
	s31 =	simm.s32 $0x1;
	s2 =	sadd.s32 s28, s2;
	[tilespmem:s3+$0xF0] =	vst v63  }
0x75: {  	[hbm4b:s2+s30] =	stream.strided.scatter [tilespmem:s30], [sflag:$0x1], $0x400, s29, s30, $0x38;
	[tilespmem:$0x480] =	vst v63  }
0x76: {  	_ =	swait.ge [sflag:s31], $0x400  }
0x77: {  	[sflag:s31] =	ssyncset.done $0x0  }
0x78: {  	[sflag:s31] =	ssyncadd.s32 $0xFFFFFC00  }
0x79: {  	_ =	sfence.sel $0x180000  }
0x7a: {  	[bflag:$0x0] =	sbarrier.arrive $0xFFFF  }
0x7b: {  	p0 =	sne.s32 s1, $0x0;
	_ =	strace $0x90000047  }
0x7c: {  	s0 =	sadd.s32 @!p0 $0x100000, s0;
	[bflag:$0x2] =	sbarrier.arrive $0xFFFF  }
0x7d: {  	[sflag:s0] =	ssyncadd.tile.s32 @!p0 $0x1;
	_ =	shalt  }
.Lfunc_end2:
_tile_overlayer_lowered:
.L_overlay_start_2:
0x7e: {  	(tag) =	ssettag $0x2  }
0x7f: {  	s0 =	rddreg [dreg:$0x0];
	s2 =	stileid.u32  }
0x80: {  	s1 =	rddreg [dreg:$0x1];
	p0 =	sne.s32 s2, $0x0  }
0x81: {  	s3 =	rddreg [dreg:$0x2];
	[bflag:$0x3] =	sbarrier.arrive $0xFFFF;
	s2 =	simm.s32 @!p0 $0x1C01  }
0x82: {  	[timem:s3], [sflag:s2] =	dma.local @!p0 [hbm:s0], s1  }
0x83: {  	s0 =	simm.s32 @!p0 $0x1  }
0x84: {  	_ =	swait.ge @!p0 [sflag:s0], s1  }
0x85: {  	s1 =	ssub.s32 @!p0 $0x0, s1;
	[sflag:s0] =	ssyncset.done @!p0 $0x0  }
0x86: {  	[sflag:s0] =	ssyncadd.s32 @!p0 s1  }
0x87: {  	[bflag:$0x3] =	sbarrier.arrive $0xFFFF  }
0x88: {  	_ =	shalt  }

</sc_bundles>
